<compile_context>
chip_gen: v7x
topology: tpu7x:2x2x1
jax: 0.10.2.dev20260603
libtpu: 0.0.44.dev20260713+nightly
codegen_flags: <defaults>
</compile_context>

<pallas_src>
import functools

import jax
import jax.numpy as jnp
from jax import lax
from jax.experimental import pallas as pl
from jax.experimental.pallas import tpu as pltpu
from jax.experimental.pallas import tpu_sc as plsc

VOCAB = 100000
C = 64
ALPHA = 0.01
L = 200
B = 1024

V_BLK = 2048
V_PAD = 102400
CP = 128
NC, NS = 2, 16
NW = NC * NS
EPW = B // NW
LH = L // 2
NCHUNK = 2 * EPW


def _logtable_body(freq_ref, comm_ref, out_ref):
    i = pl.program_id(0)
    n = comm_ref[:, :]
    denom = n + VOCAB * ALPHA
    p = freq_ref[:, :] * n
    p = jnp.where(p == 0.0, ALPHA, p)
    lv = jnp.log(p / denom)
    lvt = lv.T
    v = i * V_BLK + lax.broadcasted_iota(jnp.int32, (V_BLK, C), 0)
    out_ref[:, pl.ds(0, C)] = jnp.where(v < VOCAB, lvt, 0.0)
    out_ref[:, pl.ds(C, CP - C)] = jnp.zeros((V_BLK, CP - C), jnp.float32)


def _midx_body(m_ref, lens_ref, out_ref):
    li = lax.broadcasted_iota(jnp.int32, (L, B), 0)
    mi = jnp.where(li < lens_ref[:, :], m_ref[:, :], VOCAB)
    out_ref[:, :] = mi.T


def _softmax_body(s_ref, out_ref):
    s = s_ref[:, pl.ds(0, C)]
    mx = jnp.max(s, axis=1, keepdims=True)
    e = jnp.exp(s - mx)
    out_ref[:, :] = e / jnp.sum(e, axis=1, keepdims=True)


_sc_mesh = plsc.VectorSubcoreMesh(core_axis_name="c", subcore_axis_name="s")


@functools.partial(
    pl.kernel,
    mesh=_sc_mesh,
    out_type=jax.ShapeDtypeStruct((B, CP), jnp.float32),
    scratch_types=[
        pltpu.VMEM((NCHUNK, LH), jnp.int32),
        pltpu.VMEM((EPW, LH), jnp.int32),
        pltpu.VMEM((LH, CP), jnp.float32),
        pltpu.VMEM_SHARED((B, CP), jnp.float32),
        pltpu.SemaphoreType.DMA,
    ],
)
def _sc_infer(midx_hbm, dst_hbm, zeros_hbm, logt_hbm, out_hbm,
              idx_v, dst_v, rows_v, acc_sh, sem):
    wid = lax.axis_index("s") * NC + lax.axis_index("c")
    base = wid * EPW
    pltpu.sync_copy(midx_hbm.at[pl.ds(base * 2, NCHUNK)], idx_v)
    pltpu.sync_copy(dst_hbm.at[pl.ds(base, EPW)], dst_v)
    pltpu.sync_copy(zeros_hbm, acc_sh.at[pl.ds(base, EPW)])

    def chunk(k, carry):
        e = k // 2
        pltpu.async_copy(logt_hbm.at[idx_v.at[k]], rows_v, sem).wait()
        pltpu.sync_copy(rows_v, acc_sh.at[dst_v.at[e]], add=True)
        return carry

    lax.fori_loop(0, NCHUNK, chunk, 0)
    pltpu.sync_copy(acc_sh.at[pl.ds(base, EPW)], out_hbm.at[pl.ds(base, EPW)])


def kernel(m, m_lens, unigram_freq, comm_N):
    m = m.astype(jnp.int32)
    m_lens = m_lens.astype(jnp.int32)
    fp = jnp.pad(unigram_freq, ((0, 0), (0, V_PAD - VOCAB)))
    logt = pl.pallas_call(
        _logtable_body,
        grid=(V_PAD // V_BLK,),
        in_specs=[
            pl.BlockSpec((C, V_BLK), lambda i: (0, i)),
            pl.BlockSpec((C, 1), lambda i: (0, 0)),
        ],
        out_specs=pl.BlockSpec((V_BLK, CP), lambda i: (i, 0)),
        out_shape=jax.ShapeDtypeStruct((V_PAD, CP), jnp.float32),
    )(fp, comm_N.reshape(C, 1))
    midx = pl.pallas_call(
        _midx_body,
        out_shape=jax.ShapeDtypeStruct((B, L), jnp.int32),
    )(m, m_lens.reshape(1, B))
    dst = jnp.broadcast_to(
        jnp.arange(B, dtype=jnp.int32)[:, None], (B, LH))
    zeros = jnp.zeros((EPW, CP), jnp.float32)
    sums = _sc_infer(midx.reshape(B * 2, LH), dst, zeros, logt)
    return pl.pallas_call(
        _softmax_body,
        out_shape=jax.ShapeDtypeStruct((B, C), jnp.float32),
    )(sums)

# --- scband reference (transcript-rebuilt; emitter-appended) ---
"""Pipeline reference for scband-naive-bayes-unigram-12017318494514 (READ-ONLY COPY).

The authoritative reference and input builder live on the scoring server;
editing this copy changes nothing except your own understanding.
"""

import jax, jax.numpy as jnp
import numpy as np

VOCAB_SIZE = 100000
N_COMMS = 64
ALPHA = 0.01
SEQ_LEN = 200
BATCH = 1024


def exp_normalize(x, axis):
    b = jnp.max(x, axis=axis, keepdims=True)
    y = jnp.exp(x - b)
    return y / jnp.sum(y, axis=axis, keepdims=True)


def setup_inputs(seed: int = 0) -> dict:
    key = jax.random.key(seed)
    k1, k2, k3, k4 = jax.random.split(key, 4)
    m = jax.random.randint(k1, (SEQ_LEN, BATCH), 0, VOCAB_SIZE)
    m_lens = jax.random.randint(k2, (BATCH,), 0, SEQ_LEN)
    # learned (buffer) parameters sized per init_kwargs
    unigram_freq = jax.random.uniform(k3, (N_COMMS, VOCAB_SIZE), dtype=jnp.float32)
    comm_N = jax.random.uniform(k4, (N_COMMS,), dtype=jnp.float32) * 1000.0 + 100.0
    return {"m": m, "m_lens": m_lens, "unigram_freq": unigram_freq, "comm_N": comm_N}


def reference(m, m_lens, unigram_freq, comm_N):
    # Faithful vectorized translation of NaiveBayesUnigram.infer_comm:
    # for each community c, message_cross_entropy_laplace(m, m_lens, repeat(c)),
    # stacked over communities, then exp_normalize(-nlls, axis=-1).
    L, B = m.shape
    denom = comm_N + VOCAB_SIZE * ALPHA                      # [C]
    # gather: unigram_freq[:, m] -> [C, L, B]  (per-comm token frequencies)
    p = jnp.take(unigram_freq, m, axis=1) * comm_N[:, None, None]
    p = jnp.where(p == 0.0, ALPHA, p)
    pad_mask = (jnp.arange(L)[:, None] < m_lens[None, :]).astype(jnp.float32)  # [L, B]
    logp = jnp.log(p / denom[:, None, None])                 # [C, L, B]
    nlls = -(logp * pad_mask[None, :, :]).sum(axis=1)        # [C, B]
    nlls = nlls.T                                            # [B, C]
    return exp_normalize(-nlls, axis=-1)

if __name__ == "__main__":
    import jax
    _d = setup_inputs()
    print(jax.jit(kernel)(*tuple(_d.values())))

</pallas_src>

<mosaic_0001>
#map = affine_map<(d0, d1) -> (0, 0)>
module attributes {stable_mosaic.version = 14 : i64} {
  func.func @_sc_infer(%arg0: i32, %arg1: i32, %arg2: memref<2048x100xi32, #tpu.memory_space<hbm>>, %arg3: memref<1024x100xi32, #tpu.memory_space<hbm>>, %arg4: memref<32x128xf32, #tpu.memory_space<hbm>>, %arg5: memref<102400x128xf32, #tpu.memory_space<hbm>>, %arg6: memref<1024x128xf32, #tpu.memory_space<hbm>>, %arg7: memref<64x100xi32, #tpu.memory_space<vmem>>, %arg8: memref<32x100xi32, #tpu.memory_space<vmem>>, %arg9: memref<100x128xf32, #tpu.memory_space<vmem>>, %arg10: memref<1024x128xf32, #tpu.memory_space<vmem_shared>>, %arg11: memref<!tpu.dma_semaphore, #tpu.memory_space<semaphore_mem>>) attributes {dimension_semantics = [#tpu.dimension_semantics<core_parallel>, #tpu.dimension_semantics<subcore_parallel>], iteration_bounds = array<i64: 2, 16>, scalar_prefetch = 0 : i64, scratch_operands = 5 : i64, tpu.core_type = #tpu.core_type<sc_vector_subcore>, window_params = [{transform_indices = #map}, {transform_indices = #map}, {transform_indices = #map}, {transform_indices = #map}, {transform_indices = #map}]} {
    %mul3A = arith.constant 2 : i32
    %mul3A_0 = arith.muli %arg1, %mul3A : i32
    %add3A = arith.addi %mul3A_0, %arg0 : i32
    %mul3A_1 = arith.constant 32 : i32
    %mul3A_2 = arith.muli %add3A, %mul3A_1 : i32
    %mul3A_3 = arith.constant 2 : i32
    %mul3A_4 = arith.muli %mul3A_2, %mul3A_3 : i32
    "tpu.region"() ({
      %run_scoped3A = tpu.sem_alloc : memref<!tpu.dma_semaphore, #tpu.memory_space<semaphore_mem>>
      %dma_start3A = arith.constant 0 : i32
      %dma_start3A_10 = tpu.memref_slice %arg2[%mul3A_4, %dma_start3A] : memref<2048x100xi32, #tpu.memory_space<hbm>> -> memref<64x100xi32, #tpu.memory_space<hbm>>
      %dma_start3A_11 = arith.constant 0 : i32
      %dma_start3A_12 = tpu.memref_slice %arg2[%mul3A_4, %dma_start3A_11] : memref<2048x100xi32, #tpu.memory_space<hbm>> -> memref<64x100xi32, #tpu.memory_space<hbm>>
      tpu.enqueue_dma source(%dma_start3A_12 : memref<64x100xi32, #tpu.memory_space<hbm>>) target(%arg7 : memref<64x100xi32, #tpu.memory_space<vmem>>) target_semaphore(%run_scoped3A : memref<!tpu.dma_semaphore, #tpu.memory_space<semaphore_mem>>)
      %dma_wait3A = arith.constant 0 : i32
      %dma_wait3A_13 = tpu.memref_slice %arg2[%mul3A_4, %dma_wait3A] : memref<2048x100xi32, #tpu.memory_space<hbm>> -> memref<64x100xi32, #tpu.memory_space<hbm>>
      %dma_wait3A_14 = arith.constant 0 : i32
      %dma_wait3A_15 = tpu.memref_slice %arg2[%mul3A_4, %dma_wait3A_14] : memref<2048x100xi32, #tpu.memory_space<hbm>> -> memref<64x100xi32, #tpu.memory_space<hbm>>
      tpu.wait_dma2 semaphore(%run_scoped3A : memref<!tpu.dma_semaphore, #tpu.memory_space<semaphore_mem>>) src(%dma_wait3A_15 : memref<64x100xi32, #tpu.memory_space<hbm>>) dst(%arg7 : memref<64x100xi32, #tpu.memory_space<vmem>>)
      tpu.yield
    }) : () -> ()
    "tpu.region"() ({
      %run_scoped3A = tpu.sem_alloc : memref<!tpu.dma_semaphore, #tpu.memory_space<semaphore_mem>>
      %dma_start3A = arith.constant 0 : i32
      %dma_start3A_10 = tpu.memref_slice %arg3[%mul3A_2, %dma_start3A] : memref<1024x100xi32, #tpu.memory_space<hbm>> -> memref<32x100xi32, #tpu.memory_space<hbm>>
      %dma_start3A_11 = arith.constant 0 : i32
      %dma_start3A_12 = tpu.memref_slice %arg3[%mul3A_2, %dma_start3A_11] : memref<1024x100xi32, #tpu.memory_space<hbm>> -> memref<32x100xi32, #tpu.memory_space<hbm>>
      tpu.enqueue_dma source(%dma_start3A_12 : memref<32x100xi32, #tpu.memory_space<hbm>>) target(%arg8 : memref<32x100xi32, #tpu.memory_space<vmem>>) target_semaphore(%run_scoped3A : memref<!tpu.dma_semaphore, #tpu.memory_space<semaphore_mem>>)
      %dma_wait3A = arith.constant 0 : i32
      %dma_wait3A_13 = tpu.memref_slice %arg3[%mul3A_2, %dma_wait3A] : memref<1024x100xi32, #tpu.memory_space<hbm>> -> memref<32x100xi32, #tpu.memory_space<hbm>>
      %dma_wait3A_14 = arith.constant 0 : i32
      %dma_wait3A_15 = tpu.memref_slice %arg3[%mul3A_2, %dma_wait3A_14] : memref<1024x100xi32, #tpu.memory_space<hbm>> -> memref<32x100xi32, #tpu.memory_space<hbm>>
      tpu.wait_dma2 semaphore(%run_scoped3A : memref<!tpu.dma_semaphore, #tpu.memory_space<semaphore_mem>>) src(%dma_wait3A_15 : memref<32x100xi32, #tpu.memory_space<hbm>>) dst(%arg8 : memref<32x100xi32, #tpu.memory_space<vmem>>)
      tpu.yield
    }) : () -> ()
    "tpu.region"() ({
      %run_scoped3A = tpu.sem_alloc : memref<!tpu.dma_semaphore, #tpu.memory_space<semaphore_mem>>
      %dma_start3A = arith.constant 0 : i32
      %dma_start3A_10 = tpu.memref_slice %arg10[%mul3A_2, %dma_start3A] : memref<1024x128xf32, #tpu.memory_space<vmem_shared>> -> memref<32x128xf32, #tpu.memory_space<vmem_shared>>
      tpu.enqueue_dma source(%arg4 : memref<32x128xf32, #tpu.memory_space<hbm>>) target(%dma_start3A_10 : memref<32x128xf32, #tpu.memory_space<vmem_shared>>) target_semaphore(%run_scoped3A : memref<!tpu.dma_semaphore, #tpu.memory_space<semaphore_mem>>)
      %dma_wait3A = arith.constant 0 : i32
      %dma_wait3A_11 = tpu.memref_slice %arg10[%mul3A_2, %dma_wait3A] : memref<1024x128xf32, #tpu.memory_space<vmem_shared>> -> memref<32x128xf32, #tpu.memory_space<vmem_shared>>
      tpu.wait_dma2 semaphore(%run_scoped3A : memref<!tpu.dma_semaphore, #tpu.memory_space<semaphore_mem>>) src(%arg4 : memref<32x128xf32, #tpu.memory_space<hbm>>) dst(%dma_wait3A_11 : memref<32x128xf32, #tpu.memory_space<vmem_shared>>)
      tpu.yield
    }) : () -> ()
    %scan3A = arith.constant 0 : i32
    %scan3A_5 = arith.constant 0 : i32
    %scan3A_6 = arith.constant 64 : i32
    %scan3A_7 = arith.addi %scan3A_5, %scan3A_6 : i32
    %scan3A_8 = arith.constant 1 : i32
    scf.for %scan3A_10 = %scan3A_5 to %scan3A_7 step %scan3A_8  : i32 {
      %jit3A = arith.constant 2 : i32
      %div3A = arith.divsi %scan3A_10, %jit3A : i32
      %sign3A = arith.constant 0 : i32
      %sign3A_11 = arith.cmpi sgt, %scan3A_10, %sign3A : i32
      %sign3A_12 = arith.extui %sign3A_11 : i1 to i32
      %sign3A_13 = arith.constant 0 : i32
      %sign3A_14 = arith.cmpi slt, %scan3A_10, %sign3A_13 : i32
      %sign3A_15 = arith.extui %sign3A_14 : i1 to i32
      %sign3A_16 = arith.subi %sign3A_12, %sign3A_15 : i32
      %sign3A_17 = arith.constant 0 : i32
      %sign3A_18 = arith.cmpi sgt, %jit3A, %sign3A_17 : i32
      %sign3A_19 = arith.extui %sign3A_18 : i1 to i32
      %sign3A_20 = arith.constant 0 : i32
      %sign3A_21 = arith.cmpi slt, %jit3A, %sign3A_20 : i32
      %sign3A_22 = arith.extui %sign3A_21 : i1 to i32
      %sign3A_23 = arith.subi %sign3A_19, %sign3A_22 : i32
      %ne3A = arith.cmpi ne, %sign3A_16, %sign3A_23 : i32
      %rem3A = arith.remsi %scan3A_10, %jit3A : i32
      %ne3A_24 = arith.constant 0 : i32
      %ne3A_25 = arith.cmpi ne, %rem3A, %ne3A_24 : i32
      %and3A = arith.andi %ne3A, %ne3A_25 : i1
      %sub3A = arith.constant 1 : i32
      %sub3A_26 = arith.subi %div3A, %sub3A : i32
      %select_n3A = arith.select %and3A, %sub3A_26, %div3A : i32
      %dma_start3A = arith.constant 0 : i32
      %dma_start3A_27 = tpu.memref_slice %arg7[%scan3A_10, %dma_start3A] : memref<64x100xi32, #tpu.memory_space<vmem>> -> memref<1x100xi32, #tpu.memory_space<vmem>>
      %dma_start3A_28 = tpu.memref_squeeze %dma_start3A_27 : memref<1x100xi32, #tpu.memory_space<vmem>> -> memref<100xi32, #tpu.memory_space<vmem>>
      %dma_start3A_29 = arith.constant 0 : i32
      %dma_start3A_30 = arith.constant 0 : i32
      %dma_start3A_31 = tpu.memref_slice %arg5[%dma_start3A_29, %dma_start3A_30] : memref<102400x128xf32, #tpu.memory_space<hbm>> -> memref<102400x128xf32, #tpu.memory_space<hbm>>
      tpu.enqueue_indirect_dma source(%dma_start3A_31 : memref<102400x128xf32, #tpu.memory_space<hbm>>) target(%arg9 : memref<100x128xf32, #tpu.memory_space<vmem>>) offsets(%dma_start3A_28 : memref<100xi32, #tpu.memory_space<vmem>>) semaphore(%arg11 : memref<!tpu.dma_semaphore, #tpu.memory_space<semaphore_mem>>)
      %dma_wait3A = arith.constant 0 : i32
      %dma_wait3A_32 = tpu.memref_slice %arg7[%scan3A_10, %dma_wait3A] : memref<64x100xi32, #tpu.memory_space<vmem>> -> memref<1x100xi32, #tpu.memory_space<vmem>>
      %dma_wait3A_33 = tpu.memref_squeeze %dma_wait3A_32 : memref<1x100xi32, #tpu.memory_space<vmem>> -> memref<100xi32, #tpu.memory_space<vmem>>
      %dma_wait3A_34 = arith.constant 0 : i32
      %dma_wait3A_35 = arith.constant 0 : i32
      %dma_wait3A_36 = tpu.memref_slice %arg5[%dma_wait3A_34, %dma_wait3A_35] : memref<102400x128xf32, #tpu.memory_space<hbm>> -> memref<102400x128xf32, #tpu.memory_space<hbm>>
      tpu.wait_indirect_dma semaphore(%arg11 : memref<!tpu.dma_semaphore, #tpu.memory_space<semaphore_mem>>) src(%dma_wait3A_36 : memref<102400x128xf32, #tpu.memory_space<hbm>>) dst(%arg9 : memref<100x128xf32, #tpu.memory_space<vmem>>)
      "tpu.region"() ({
        %run_scoped3A = tpu.sem_alloc : memref<!tpu.dma_semaphore, #tpu.memory_space<semaphore_mem>>
        %dma_start3A_37 = arith.constant 0 : i32
        %dma_start3A_38 = tpu.memref_slice %arg8[%select_n3A, %dma_start3A_37] : memref<32x100xi32, #tpu.memory_space<vmem>> -> memref<1x100xi32, #tpu.memory_space<vmem>>
        %dma_start3A_39 = tpu.memref_squeeze %dma_start3A_38 : memref<1x100xi32, #tpu.memory_space<vmem>> -> memref<100xi32, #tpu.memory_space<vmem>>
        %dma_start3A_40 = arith.constant 0 : i32
        %dma_start3A_41 = arith.constant 0 : i32
        %dma_start3A_42 = tpu.memref_slice %arg10[%dma_start3A_40, %dma_start3A_41] : memref<1024x128xf32, #tpu.memory_space<vmem_shared>> -> memref<1024x128xf32, #tpu.memory_space<vmem_shared>>
        tpu.enqueue_indirect_dma source(%arg9 : memref<100x128xf32, #tpu.memory_space<vmem>>) target(%dma_start3A_42 : memref<1024x128xf32, #tpu.memory_space<vmem_shared>>) offsets(%dma_start3A_39 : memref<100xi32, #tpu.memory_space<vmem>>) semaphore(%run_scoped3A : memref<!tpu.dma_semaphore, #tpu.memory_space<semaphore_mem>>) {add = true}
        %dma_wait3A_43 = arith.constant 0 : i32
        %dma_wait3A_44 = tpu.memref_slice %arg8[%select_n3A, %dma_wait3A_43] : memref<32x100xi32, #tpu.memory_space<vmem>> -> memref<1x100xi32, #tpu.memory_space<vmem>>
        %dma_wait3A_45 = tpu.memref_squeeze %dma_wait3A_44 : memref<1x100xi32, #tpu.memory_space<vmem>> -> memref<100xi32, #tpu.memory_space<vmem>>
        %dma_wait3A_46 = arith.constant 0 : i32
        %dma_wait3A_47 = arith.constant 0 : i32
        %dma_wait3A_48 = tpu.memref_slice %arg10[%dma_wait3A_46, %dma_wait3A_47] : memref<1024x128xf32, #tpu.memory_space<vmem_shared>> -> memref<1024x128xf32, #tpu.memory_space<vmem_shared>>
        tpu.wait_indirect_dma semaphore(%run_scoped3A : memref<!tpu.dma_semaphore, #tpu.memory_space<semaphore_mem>>) src(%arg9 : memref<100x128xf32, #tpu.memory_space<vmem>>) dst(%dma_wait3A_48 : memref<1024x128xf32, #tpu.memory_space<vmem_shared>>)
        tpu.yield
      }) : () -> ()
    }
    %scan3A_9 = arith.constant 64 : i32
    "tpu.region"() ({
      %run_scoped3A = tpu.sem_alloc : memref<!tpu.dma_semaphore, #tpu.memory_space<semaphore_mem>>
      %dma_start3A = arith.constant 0 : i32
      %dma_start3A_10 = tpu.memref_slice %arg6[%mul3A_2, %dma_start3A] : memref<1024x128xf32, #tpu.memory_space<hbm>> -> memref<32x128xf32, #tpu.memory_space<hbm>>
      %dma_start3A_11 = arith.constant 0 : i32
      %dma_start3A_12 = tpu.memref_slice %arg10[%mul3A_2, %dma_start3A_11] : memref<1024x128xf32, #tpu.memory_space<vmem_shared>> -> memref<32x128xf32, #tpu.memory_space<vmem_shared>>
      tpu.enqueue_dma source(%dma_start3A_12 : memref<32x128xf32, #tpu.memory_space<vmem_shared>>) target(%dma_start3A_10 : memref<32x128xf32, #tpu.memory_space<hbm>>) target_semaphore(%run_scoped3A : memref<!tpu.dma_semaphore, #tpu.memory_space<semaphore_mem>>)
      %dma_wait3A = arith.constant 0 : i32
      %dma_wait3A_13 = tpu.memref_slice %arg6[%mul3A_2, %dma_wait3A] : memref<1024x128xf32, #tpu.memory_space<hbm>> -> memref<32x128xf32, #tpu.memory_space<hbm>>
      %dma_wait3A_14 = arith.constant 0 : i32
      %dma_wait3A_15 = tpu.memref_slice %arg10[%mul3A_2, %dma_wait3A_14] : memref<1024x128xf32, #tpu.memory_space<vmem_shared>> -> memref<32x128xf32, #tpu.memory_space<vmem_shared>>
      tpu.wait_dma2 semaphore(%run_scoped3A : memref<!tpu.dma_semaphore, #tpu.memory_space<semaphore_mem>>) src(%dma_wait3A_15 : memref<32x128xf32, #tpu.memory_space<vmem_shared>>) dst(%dma_wait3A_13 : memref<32x128xf32, #tpu.memory_space<hbm>>)
      tpu.yield
    }) : () -> ()
    return
  }
}

module attributes {stable_mosaic.version = 14 : i64} {
  func.func @_midx_body(%arg0: memref<200x1024xi32, #tpu.memory_space<vmem>>, %arg1: memref<1x1024xi32, #tpu.memory_space<vmem>>, %arg2: memref<1024x200xi32, #tpu.memory_space<vmem>>) attributes {dimension_semantics = [], scalar_prefetch = 0 : i64, scratch_operands = 0 : i64, tpu.core_type = #tpu.core_type<tc>} {
    %iota3A = tpu.iota {dimensions = array<i32: 0>} : vector<200x1024xi32>
    %get3A = arith.constant 0 : index
    %get3A_0 = arith.constant 0 : index
    %get3A_1 = vector.load %arg1[%get3A, %get3A_0] : memref<1x1024xi32, #tpu.memory_space<vmem>>, vector<1x1024xi32>
    %lt3A = vector.broadcast %get3A_1 : vector<1x1024xi32> to vector<200x1024xi32>
    %lt3A_2 = arith.cmpi slt, %iota3A, %lt3A : vector<200x1024xi32>
    %get3A_3 = arith.constant 0 : index
    %get3A_4 = arith.constant 0 : index
    %get3A_5 = vector.load %arg0[%get3A_3, %get3A_4] : memref<200x1024xi32, #tpu.memory_space<vmem>>, vector<200x1024xi32>
    %jit3A = arith.constant 100000 : i32
    %broadcast_in_dim3A = vector.broadcast %jit3A : i32 to vector<200x1024xi32>
    %select_n3A = arith.select %lt3A_2, %get3A_5, %broadcast_in_dim3A : vector<200x1024xi1>, vector<200x1024xi32>
    %transpose3A = tpu.transpose %select_n3A, [1, 0] : vector<200x1024xi32> -> vector<1024x200xi32>
    %swap3A = arith.constant 0 : index
    %swap3A_6 = arith.constant 0 : index
    %swap3A_7 = vector.load %arg2[%swap3A, %swap3A_6] : memref<1024x200xi32, #tpu.memory_space<vmem>>, vector<1024x200xi32>
    tpu.vector_store %arg2[%swap3A, %swap3A_6], %transpose3A {strides = array<i32>} : memref<1024x200xi32, #tpu.memory_space<vmem>>, vector<1024x200xi32>,
    return
  }
}

module attributes {stable_mosaic.version = 14 : i64} {
  func.func @_logtable_body(%arg0: i32, %arg1: memref<64x2048xf32, #tpu.memory_space<vmem>>, %arg2: memref<64x1xf32, #tpu.memory_space<vmem>>, %arg3: memref<2048x128xf32, #tpu.memory_space<vmem>>) attributes {dimension_semantics = [#tpu.dimension_semantics<arbitrary>], iteration_bounds = array<i64: 50>, scalar_prefetch = 0 : i64, scratch_operands = 0 : i64, tpu.core_type = #tpu.core_type<tc>, window_params = [{transform_indices = @transform_0, window_bounds = array<i64: 64, 2048>}, {pipeline_mode = #tpu.pipeline_mode<synchronous>, transform_indices = @transform_1, window_bounds = array<i64: 64, 1>}, {transform_indices = @transform_2, window_bounds = array<i64: 2048, 128>}]} {
    %get3A = arith.constant 0 : index
    %get3A_0 = arith.constant 0 : index
    %get3A_1 = vector.load %arg2[%get3A, %get3A_0] : memref<64x1xf32, #tpu.memory_space<vmem>>, vector<64x1xf32>
    %add3A = arith.constant 1.000000e+03 : f32
    %add3A_2 = vector.broadcast %add3A : f32 to vector<64x1xf32>
    %add3A_3 = arith.addf %get3A_1, %add3A_2 : vector<64x1xf32>
    %get3A_4 = arith.constant 0 : index
    %get3A_5 = arith.constant 0 : index
    %get3A_6 = vector.load %arg1[%get3A_4, %get3A_5] : memref<64x2048xf32, #tpu.memory_space<vmem>>, vector<64x2048xf32>
    %mul3A = vector.broadcast %get3A_1 : vector<64x1xf32> to vector<64x2048xf32>
    %mul3A_7 = arith.mulf %get3A_6, %mul3A : vector<64x2048xf32>
    %eq3A = arith.constant 0.000000e+00 : f32
    %eq3A_8 = vector.broadcast %eq3A : f32 to vector<64x2048xf32>
    %eq3A_9 = arith.cmpf oeq, %mul3A_7, %eq3A_8 : vector<64x2048xf32>
    %jit3A = arith.constant 0.00999999977 : f32
    %broadcast_in_dim3A = vector.broadcast %jit3A : f32 to vector<64x2048xf32>
    %select_n3A = arith.select %eq3A_9, %broadcast_in_dim3A, %mul3A_7 : vector<64x2048xi1>, vector<64x2048xf32>
    %div3A = vector.broadcast %add3A_3 : vector<64x1xf32> to vector<64x2048xf32>
    %div3A_10 = arith.divf %select_n3A, %div3A : vector<64x2048xf32>
    %log3A = math.log %div3A_10 : vector<64x2048xf32>
    %transpose3A = tpu.transpose %log3A, [1, 0] : vector<64x2048xf32> -> vector<2048x64xf32>
    %mul3A_11 = arith.constant 2048 : i32
    %mul3A_12 = arith.muli %arg0, %mul3A_11 : i32
    %iota3A = tpu.iota {dimensions = array<i32: 0>} : vector<2048x64xi32>
    %add3A_13 = vector.broadcast %mul3A_12 : i32 to vector<2048x64xi32>
    %add3A_14 = arith.addi %add3A_13, %iota3A : vector<2048x64xi32>
    %lt3A = arith.constant 100000 : i32
    %lt3A_15 = vector.broadcast %lt3A : i32 to vector<2048x64xi32>
    %lt3A_16 = arith.cmpi slt, %add3A_14, %lt3A_15 : vector<2048x64xi32>
    %jit3A_17 = arith.constant 0.000000e+00 : f32
    %broadcast_in_dim3A_18 = vector.broadcast %jit3A_17 : f32 to vector<2048x64xf32>
    %select_n3A_19 = arith.select %lt3A_16, %transpose3A, %broadcast_in_dim3A_18 : vector<2048x64xi1>, vector<2048x64xf32>
    %swap3A = arith.constant 0 : index
    %swap3A_20 = arith.constant 0 : index
    %swap3A_21 = vector.load %arg3[%swap3A, %swap3A_20] : memref<2048x128xf32, #tpu.memory_space<vmem>>, vector<2048x64xf32>
    tpu.vector_store %arg3[%swap3A, %swap3A_20], %select_n3A_19 {strides = array<i32>} : memref<2048x128xf32, #tpu.memory_space<vmem>>, vector<2048x64xf32>,
    %broadcast_in_dim3A_22 = arith.constant 0.000000e+00 : f32
    %broadcast_in_dim3A_23 = vector.broadcast %broadcast_in_dim3A_22 : f32 to vector<2048x64xf32>
    %swap3A_24 = arith.constant 0 : index
    %swap3A_25 = arith.constant 64 : index
    %swap3A_26 = vector.load %arg3[%swap3A_24, %swap3A_25] : memref<2048x128xf32, #tpu.memory_space<vmem>>, vector<2048x64xf32>
    tpu.vector_store %arg3[%swap3A_24, %swap3A_25], %broadcast_in_dim3A_23 {strides = array<i32>} : memref<2048x128xf32, #tpu.memory_space<vmem>>, vector<2048x64xf32>,
    return
  }
  func.func @transform_0(%arg0: i32) -> (i32, i32) {
    %c0_i32 = arith.constant 0 : i32
    %c0_i32_0 = arith.constant 0 : i32
    return %c0_i32, %arg0 : i32, i32
  }
  func.func @transform_1(%arg0: i32) -> (i32, i32) {
    %c0_i32 = arith.constant 0 : i32
    %c0_i32_0 = arith.constant 0 : i32
    %c0_i32_1 = arith.constant 0 : i32
    return %c0_i32, %c0_i32_0 : i32, i32
  }
  func.func @transform_2(%arg0: i32) -> (i32, i32) {
    %c0_i32 = arith.constant 0 : i32
    %c0_i32_0 = arith.constant 0 : i32
    return %arg0, %c0_i32 : i32, i32
  }
}

module attributes {stable_mosaic.version = 14 : i64} {
  func.func @_softmax_body(%arg0: memref<1024x128xf32, #tpu.memory_space<vmem>>, %arg1: memref<1024x64xf32, #tpu.memory_space<vmem>>) attributes {dimension_semantics = [], scalar_prefetch = 0 : i64, scratch_operands = 0 : i64, tpu.core_type = #tpu.core_type<tc>} {
    %get3A = arith.constant 0 : index
    %get3A_0 = arith.constant 0 : index
    %get3A_1 = vector.load %arg0[%get3A, %get3A_0] : memref<1024x128xf32, #tpu.memory_space<vmem>>, vector<1024x64xf32>
    %reduce_max3A = arith.constant dense<0xFF800000> : vector<1024xf32>
    %reduce_max3A_2 = vector.multi_reduction <maximumf>, %get3A_1, %reduce_max3A [1] : vector<1024x64xf32> to vector<1024xf32>
    %broadcast_in_dim3A = vector.shape_cast %reduce_max3A_2 : vector<1024xf32> to vector<1024x1xf32>
    %sub3A = vector.broadcast %broadcast_in_dim3A : vector<1024x1xf32> to vector<1024x64xf32>
    %sub3A_3 = arith.subf %get3A_1, %sub3A : vector<1024x64xf32>
    %exp3A = math.exp %sub3A_3 : vector<1024x64xf32>
    %reduce_sum3A = arith.constant dense<0.000000e+00> : vector<1024xf32>
    %reduce_sum3A_4 = vector.multi_reduction <add>, %exp3A, %reduce_sum3A [1] : vector<1024x64xf32> to vector<1024xf32>
    %broadcast_in_dim3A_5 = vector.shape_cast %reduce_sum3A_4 : vector<1024xf32> to vector<1024x1xf32>
    %div3A = vector.broadcast %broadcast_in_dim3A_5 : vector<1024x1xf32> to vector<1024x64xf32>
    %div3A_6 = arith.divf %exp3A, %div3A : vector<1024x64xf32>
    %swap3A = arith.constant 0 : index
    %swap3A_7 = arith.constant 0 : index
    %swap3A_8 = vector.load %arg1[%swap3A, %swap3A_7] : memref<1024x64xf32, #tpu.memory_space<vmem>>, vector<1024x64xf32>
    tpu.vector_store %arg1[%swap3A, %swap3A_7], %div3A_6 {strides = array<i32>} : memref<1024x64xf32, #tpu.memory_space<vmem>>, vector<1024x64xf32>,
    return
  }
}

</mosaic_0001>

<sc_bundles>
// kernel: kernel.6.cloned.1.call-start
scs
__scs_entry_jumppad:
0x0: {  	(pc) =	sbr.rel $0x88, $3  }
0x1: {  	(tag) =	ssettag $0x0;
	lr =	simm.s32 $0x1  }
0x2: {  	[smem:$0x3F9D] =	sst lr;
	_ =	strace $0xD0000000  }
0x3: {  	_ = 	snop  }
0x4: {  	_ = 	snop  }
0x5: {  	_ = 	snop  }
0x6: {  	_ = 	snop  }
0x7: {  	_ = 	snop  }
__scs_overlays_trampoline_lowered:
0x8: {  	[smem:$0x3FAC] =	sst s0  }
0x9: {  	[smem:$0x3FAD] =	sst s1  }
0xa: {  	[smem:$0x3FAE] =	sst s2  }
0xb: {  	[smem:$0x3FAF] =	sst s3  }
0xc: {  	[smem:$0x3FB0] =	sst s4  }
0xd: {  	[smem:$0x3FB1] =	sst s5  }
0xe: {  	[smem:$0x3FB2] =	sst s6  }
0xf: {  	[smem:$0x3FB3] =	sst s7  }
0x10: {  	[smem:$0x3FB4] =	sst s8  }
0x11: {  	[smem:$0x3FB5] =	sst s9;
	s0 =	simm.s32 @!p0 $0x0  }
0x12: {  	s1 =	sld [smem:$0x3F9B];
	s0 =	simm.s32 @p0 $0x1  }
0x13: {  	[smem:$0x3FB6] =	sst s0;
	s0 =	simm.s32 @!p1 $0x0  }
0x14: {  	s2 =	sld [smem:$0x3F9A];
	s0 =	simm.s32 @p1 $0x1  }
0x15: {  	[smem:$0x3FB7] =	sst s0;
	s0 =	simm.s32 @!p2 $0x0  }
0x16: {  	s3 =	sld [smem:$0x3FDB];
	s0 =	simm.s32 @p2 $0x1  }
0x17: {  	s4 =	simm.s32 $0x1BF5;
	[smem:$0x3FB9] =	sst s0  }
0x18: {  	s0 =	sld [smem:$0x3F9C];
	_ =	swait.ge [sflag:s4], $0x0  }
0x19: {  	s7 =	sld [smem:$0x3F9D]  }
0x1a: {  	s8 =	sadd.s32 $0xFFFFE003, lr  }
0x1b: {  	s9 =	sadd.s32 $0xFFFFFEF7, lr;
	s5 =	simm.s32 $0xFFFFFFFF;
	p2 =	slt.u32 s8, $0xFFFFF086  }
0x1c: {  	p1 =	slt.u32 s9, $0xF7A;
	s5 =	simm.s32 @!p2 $0x0  }
0x1d: {  	s5 =	simm.s32 @p1 $0x1;
	p0 =	seq.s32 s7, s2  }
0x1e: {  	s7 =	smul.u32 @!p0 $0xF7A, s2;
	p2 =	seq.s32 @!p0 s5, $0x0  }
0x1f: {  	s9 =	smul.u32 $0xF7A, s1;
	s8 =	simm.s32 @!p0 $0x1BF5;
	p2 =	por !p2, p0  }
0x20: {  	[sflag:s8] =	ssyncset.s32 @!p0 $0xFFFFF086;
	s6 =	sadd.s32 @!p0 s3, s7;
	s7 =	simm.s32 @!p0 $0x108  }
0x21: {  	s3 =	sadd.s32 s3, s9;
	s6 =	sadd.s32 @!p0 $0x88, s6;
	s7 =	simm.s32 @p2 $0x1082  }
0x22: {  	[simem:s7], [sflag:s8] =	dma.local @!p0 [hbm:s6], $0xF7A  }
0x23: {  	s9 =	sor.u32 $0xD0000000, s2;
	s6 =	simm.s32 $0x108;
	_ =	swait.ge @!p0 [sflag:s8], $0x0  }
0x24: {  	s3 =	sadd.s32 $0x88, s3;
	s6 =	simm.s32 @!p1 $0x1082;
	[sflag:s4] =	ssyncset.s32 $0xFFFFF086  }
0x25: {  	[simem:s6], [sflag:s4] =	dma.local [hbm:s3], $0xF7A  }
0x26: {  	[smem:$0x3F9D] =	sst s1;
	(tag) =	ssettag s2;
	_ =	strace s9  }
0x27: {  	s1 =	sld [smem:$0x3FAD]  }
0x28: {  	s2 =	sld [smem:$0x3FAE]  }
0x29: {  	s4 =	sld [smem:$0x3FB0]  }
0x2a: {  	p0 =	seq.s32 s5, $0x0;
	s5 =	sld [smem:$0x3FB1]  }
0x2b: {  	s6 =	sld [smem:$0x3FB2]  }
0x2c: {  	s7 =	sld [smem:$0x3FB3]  }
0x2d: {  	s3 =	simm.s32 $0x108;
	s8 =	sld [smem:$0x3FB4]  }
0x2e: {  	s3 =	simm.s32 @!p0 $0x1082;
	s9 =	sld [smem:$0x3FB5]  }
0x2f: {  	lr =	sadd.s32 s0, s3;
	s0 =	sld [smem:$0x3FAC]  }
0x30: {  	s3 =	sld [smem:$0x3FAF]  }
0x31: {  	[smem:$0x3FB8] =	sst s10  }
0x32: {  	s10 =	sld [smem:$0x3FB6];
	_ =	sdelay $0x3  }
0x33: {  	p0 =	seq.s32 s10, $0x1;
	s10 =	sld [smem:$0x3FB8];
	_ =	sdelay $0x3  }
0x34: {  	[smem:$0x3FB8] =	sst s10  }
0x35: {  	s10 =	sld [smem:$0x3FB7];
	_ =	sdelay $0x3  }
0x36: {  	p1 =	seq.s32 s10, $0x1;
	s10 =	sld [smem:$0x3FB8];
	_ =	sdelay $0x3  }
0x37: {  	[smem:$0x3FB8] =	sst s10  }
0x38: {  	s10 =	sld [smem:$0x3FB9]  }
0x39: {  	_ = 	snop;
	(pc) =	sbr.ind lr, $3  }
0x3a: {  	_ = 	snop  }
0x3b: {  	_ = 	snop  }
0x3c: {  	p2 =	seq.s32 s10, $0x1;
	s10 =	sld [smem:$0x3FB8]  }
0x3d: {  	_ =	shalt  }
0x3e: {  	_ =	shalt  }
0x3f: {  	_ =	shalt  }
0x40: {  	_ =	shalt  }
0x41: {  	_ =	shalt  }
0x42: {  	_ =	shalt  }
0x43: {  	_ =	shalt  }
0x44: {  	_ =	shalt  }
0x45: {  	_ =	shalt  }
0x46: {  	_ =	shalt  }
0x47: {  	_ =	shalt  }
0x48: {  	_ =	shalt  }
0x49: {  	_ =	shalt  }
0x4a: {  	_ =	shalt  }
0x4b: {  	_ =	shalt  }
0x4c: {  	_ =	shalt  }
0x4d: {  	_ =	shalt  }
0x4e: {  	_ =	shalt  }
0x4f: {  	_ =	shalt  }
0x50: {  	_ =	shalt  }
0x51: {  	_ =	shalt  }
0x52: {  	_ =	shalt  }
0x53: {  	_ =	shalt  }
0x54: {  	_ =	shalt  }
0x55: {  	_ =	shalt  }
0x56: {  	_ =	shalt  }
0x57: {  	_ =	shalt  }
0x58: {  	_ =	shalt  }
0x59: {  	_ =	shalt  }
0x5a: {  	_ =	shalt  }
0x5b: {  	_ =	shalt  }
0x5c: {  	_ =	shalt  }
0x5d: {  	_ =	shalt  }
0x5e: {  	_ =	shalt  }
0x5f: {  	_ =	shalt  }
0x60: {  	_ =	shalt  }
0x61: {  	_ =	shalt  }
0x62: {  	_ =	shalt  }
0x63: {  	_ =	shalt  }
0x64: {  	_ =	shalt  }
0x65: {  	_ =	shalt  }
0x66: {  	_ =	shalt  }
0x67: {  	_ =	shalt  }
0x68: {  	_ =	shalt  }
0x69: {  	_ =	shalt  }
0x6a: {  	_ =	shalt  }
0x6b: {  	_ =	shalt  }
0x6c: {  	_ =	shalt  }
0x6d: {  	_ =	shalt  }
0x6e: {  	_ =	shalt  }
0x6f: {  	_ =	shalt  }
0x70: {  	_ =	shalt  }
0x71: {  	_ =	shalt  }
0x72: {  	_ =	shalt  }
0x73: {  	_ =	shalt  }
0x74: {  	_ =	shalt  }
0x75: {  	_ =	shalt  }
0x76: {  	_ =	shalt  }
0x77: {  	_ =	shalt  }
0x78: {  	_ =	shalt  }
0x79: {  	_ =	shalt  }
0x7a: {  	_ =	shalt  }
0x7b: {  	_ =	shalt  }
0x7c: {  	_ =	shalt  }
0x7d: {  	_ =	shalt  }
0x7e: {  	_ =	shalt  }
0x7f: {  	_ =	shalt  }
0x80: {  	_ =	shalt  }
0x81: {  	_ =	shalt  }
0x82: {  	_ =	shalt  }
0x83: {  	_ =	shalt  }
0x84: {  	_ =	shalt  }
0x85: {  	_ =	shalt  }
0x86: {  	_ =	shalt  }
0x87: {  	_ =	shalt  }
.Lfunc_end0:
.L_simem_size_0:
called_computation_lowered:
.L_overlay_start_0:
0x88: {  	s2 =	sld [smem:$0x3FD9]  }
0x89: {  	s3 =	sld [smem:$0x3FFE];
	_ =	sdelay $0x1  }
0x8a: {  	s1 =	srdreg.scid  }
0x8b: {  	s0 =	sand.u32 $0x1, s1  }
0x8c: {  	s17 =	sshll.u32 s0, $0xA;
	s2 =	sadd.s32 s3, s2  }
0x8d: {  	s2 =	sadd.s32 s2, s17  }
0x8e: {  	[smem:$0x3FC4] =	sst s2  }
0x8f: {  	_ = 	snop  }
0x90: {  	s2 =	sld [smem:$0x3FD0];
	(tm) =	ssettm $0x1  }
0x91: {  	s18 =	sld [smem:$0x3FFB];
	_ =	sdelay $0x3  }
0x92: {  	_ =	strace s18  }
0x93: {  	s3 =	sld [smem:$0x3FFC];
	_ =	sdelay $0x3  }
0x94: {  	_ =	strace s3  }
0x95: {  	s3 =	sld [smem:$0x3FFD];
	_ =	sdelay $0x3  }
0x96: {  	_ =	strace s3  }
0x97: {  	_ =	strace $0x8FFFFFFF  }
0x98: {  	s19 =	sld [smem:$0x3FDB];
	_ =	sdelay $0x1  }
0x99: {  	s4 =	simm.s32 $_scs_section_size  }
0x9a: {  	s5 =	simm.s32 $_size__tile_overlayer_lowered;
	s6 =	simm.s32 $_tile_overlayer_lowered  }
0x9b: {  	s22 =	simm.s32 $0x1BFF;
	s21 =	sshll.u32 s6, $0x1;
	s3 =	sadd.s32 s4, s19  }
0x9c: {  	s7 =	simm.s32 $0x0;
	s20 =	sshll.u32 s5, $0x1;
	s5 =	sadd.s32 s21, s3  }
0x9d: {  	[timem:s7], [sflag:s22] =	dma.local [hbm:s5], s20  }
0x9e: {  	_ =	swait.ge [sflag:s22], s20  }
0x9f: {  	s4 =	ssub.s32 $0x0, s20;
	[sflag:s22] =	ssyncset.done $0x0  }
0xa0: {  	[sflag:s22] =	ssyncadd.s32 s4;
	_ =	sdelay $0x1  }
0xa1: {  	s23 =	simm.s32 $0x1B8B  }
0xa2: {  	_ =	swait.ge [sflag:s23], $0x1  }
0xa3: {  	[sflag:s23] =	ssyncset.done $0x0  }
0xa4: {  	s25 =	simm.s32 $0x1B8E;
	s24 =	sld [smem:$0x3FFE];
	[sflag:s23] =	ssyncadd.s32 $0xFFFFFFFF  }
0xa5: {  	s26 =	simm.s32 $execute0_lowered;
	[smem:$0x3FD2] =	sst s25  }
0xa6: {  	s5 =	sshll.u32 s26, $0x1;
	_ =	strace $0x80000046;
	[dreg:$0x1] =	wrdreg $0xFFFFFFFF  }
0xa7: {  	s28 =	simm.s32 $_size_execute0_lowered;
	s3 =	sadd.s32 s3, s5;
	[dreg:$0x0] =	wrdreg $0x0  }
0xa8: {  	s5 =	sshll.u32 s28, $0x1;
	[dreg:$0x2] =	wrdreg s3  }
0xa9: {  	[dreg:$0x3] =	wrdreg s5  }
0xaa: {  	[dreg:$0x4] =	wrdreg $0xC0  }
0xab: {  	_ =	task [dreg:s7], $0x5FFFF  }
0xac: {  	[dreg:$0x1] =	wrdreg $0xFFFFFFFF  }
0xad: {  	[dreg:$0x0] =	wrdreg $0x60  }
0xae: {  	[dreg:$0x2] =	wrdreg s24  }
0xaf: {  	[dreg:$0x3] =	wrdreg s2  }
0xb0: {  	[dreg:$0x4] =	wrdreg $0x64000  }
0xb1: {  	[dreg:$0x5] =	wrdreg $0x9  }
0xb2: {  	_ =	task.clear_ibuf [dreg:s7], $0x6FFFF;
	_ =	strace $0x90000046  }
0xb3: {  	s29 =	simm.s32 $0x9;
	_ =	strace $0x80000048  }
0xb4: {  	_ =	swait.ge [sflag:s29], $0x1  }
0xb5: {  	[sflag:s29] =	ssyncadd.s32 $0xFFFFFFFF  }
0xb6: {  	_ =	strace $0x90000048  }
0xb7: {  	_ =	sfence  }
0xb8: {  	s30 =	sld [smem:$0x0];
	_ =	sdelay $0x2  }
0xb9: {  	s31 =	sshll.u32 s1, $0xD;
	s1 =	sshrl.u32 s1, $0x2  }
0xba: {  	s3 =	sand.u32 $0x4000, s31;
	s1 =	sadd.s32 s1, s30  }
0xbb: {  	s0 =	sor.u32 s3, s0;
	s1 =	sshll.u32 s1, $0x11  }
0xbc: {  	s0 =	sor.u32 s1, s0  }
0xbd: {  	s0 =	sadd.s32 $0x8F2B, s0  }
0xbe: {  	[sflag:s0] =	ssyncadd.remote.s32 $0x1  }
0xbf: {  	_ =	sfence.sel $0xFFFF  }
0xc0: {  	[dreg:$0x0] =	wrdreg $0xFFFFFFFF;
	(pc) =	sbr.abs _section_cstart, $3  }
0xc1: {  	[dreg:$0x1] =	wrdreg $0xFFFFFFFF  }
0xc2: {  	_ =	task.clear_ibuf [dreg:s7], $0x2FFFF;
	_ =	strace $0x9FFFFFFF  }
0xc3: {  	(tm) =	ssettm $0x7FFFFFFF  }
tec
execute0_lowered:
.L_overlay_start_1:
0x0: {  	(tag) =	ssettag $0x1  }
0x1: {  	s6 =	rddreg [dreg:$0x0]  }
0x2: {  	s2 =	rddreg [dreg:$0x1]  }
0x3: {  	s3 =	rddreg [dreg:$0x2]  }
0x4: {  	s0 =	rddreg [dreg:$0x3];
	s5 =	srdreg.scid  }
0x5: {  	s1 =	stileid.u32;
	s4 =	simm.s32 $0x0;
	s14 =	simm.s32 $0x64  }
0x6: {  	s15 =	simm.s32 $0x3000;
	s16 =	simm.s32 $0x1;
	s17 =	simm.s32 $0x0  }
0x7: {  	s5 =	sand.u32 $0x1, s5;
	s7 =	sshll.u32 s1, $0x1;
	[smem:$0x7FF] =	sst s4  }
0x8: {  	s12 =	sshll.u32 s1, $0x6;
	s8 =	sor.u32 s5, s7;
	_ =	strace $0x80000047  }
0x9: {  	s9 =	ssub.s32 $0x2, s5;
	s5 =	sadd.s32 $0xD0A00, s6;
	s12 =	sor.u32 $0x1C02, s12  }
0xa: {  	s7 =	sshll.u32 s8, $0xA;
	s10 =	sshll.u32 s8, $0x9;
	s11 =	sshrl.u32 s9, $0x1  }
0xb: {  	s8 =	sshll.u32 s8, $0xC;
	s7 =	sadd.s32 s7, s6;
	s10 =	sadd.s32 s10, s6  }
0xc: {  	s9 =	ssub.s32 s9, s11;
	s13 =	sadd.s32 s8, s3;
	s11 =	simm.s32 $0x2000  }
0xd: {  	s6 =	sadd.s32 $0xA00, s7;
	s7 =	sadd.s32 $0x8A00, s10;
	s8 =	sadd.s32 $0xCA00, s10  }
0xe: {  	s9 =	smax.u32 s9, $0x1;
	s10 =	simm.s32 $0x2;
	s13 =	sshrl.u32 s13, $0x3  }
.LBB2_1:
0xf: {  	[tilespmem:s4], [sflag:$0x2] =	stream.linear.gather [hbm4b:s6+s4], $0x2000, $0x38;
	[tilespmem:$0x8400] =	vst v63  }
0x10: {  	_ =	swait.ge [sflag:s10], $0x2000  }
0x11: {  	[sflag:s10] =	ssyncset.done $0x0  }
0x12: {  	[sflag:s10] =	ssyncadd.s32 $0xFFFFE000  }
0x13: {  	[tilespmem:s11], [sflag:$0x2] =	stream.linear.gather [hbm4b:s7+s4], $0x1000, $0x38;
	[tilespmem:$0x8400] =	vst v63  }
0x14: {  	_ =	swait.ge [sflag:s10], $0x1000  }
0x15: {  	[sflag:s10] =	ssyncset.done $0x0  }
0x16: {  	[sflag:s10] =	ssyncadd.s32 $0xFFFFF000  }
0x17: {  	[spmem:s13], [sflag:s12] =	dma.local [hbm:s2], $0x200  }
0x18: {  	_ =	swait.ge [sflag:s10], $0x200  }
0x19: {  	[sflag:s10] =	ssyncset.done $0x0  }
0x1a: {  	[sflag:s10] =	ssyncadd.s32 $0xFFFFFE00  }
0x1b: {  	[tilespmem:s15], [sflag:$0x1] =	stream.indirect.gather [hbm4b:s5+s14], $0x80, s4, s14, $0xb8;
	[tilespmem:$0x8400] =	vst v63  }
0x1c: {  	s18 =	sand.u32 $0x3E00, s4;
	_ =	swait.ge [sflag:s16], $0x3200  }
0x1d: {  	s18 =	sshrl.u32 s18, $0x2;
	[sflag:s16] =	ssyncset.done $0x0  }
0x1e: {  	s18 =	sor.u32 $0x2000, s18;
	[sflag:s16] =	ssyncadd.s32 $0xFFFFCE00  }
0x1f: {  	[spmem:s3] =	stream.indirect.scatter.add.f32 [tilespmem:s15], [sflag:$0x2], $0x80, s18, s14, $0xb8;
	[tilespmem:$0x8400] =	vst v63  }
0x20: {  	_ =	swait.ge [sflag:s10], $0x3200  }
0x21: {  	s19 =	simm.s32 $0x0;
	s18 =	simm.s32 $0x100;
	[sflag:s10] =	ssyncset.done $0x0  }
.LBB2_2:
0x22: {  	p0 =	sne.s32 s18, $0x3F00;
	[sflag:s10] =	ssyncadd.s32 $0xFFFFCE00;
	s19 =	sadd.s32 $0x80, s19  }
0x23: {  	[tilespmem:s15], [sflag:$0x1] =	stream.indirect.gather [hbm4b:s5+s14], $0x80, s19, s14, $0xb8;
	[tilespmem:$0x8400] =	vst v63  }
0x24: {  	s20 =	sand.u32 $0x3E00, s18;
	s18 =	sadd.s32 $0x100, s18;
	_ =	swait.ge [sflag:s16], $0x3200  }
.Ltmp0:
0x25: {  	s20 =	sshrl.u32 s20, $0x2;
	[sflag:s16] =	ssyncset.done $0x0;
	(pc) =	sbr.rel @p0 .LBB2_2-.Ltmp0, $4  }
0x26: {  	s20 =	sor.u32 $0x2000, s20;
	[sflag:s16] =	ssyncadd.s32 $0xFFFFCE00  }
0x27: {  	[spmem:s3] =	stream.indirect.scatter.add.f32 [tilespmem:s15], [sflag:$0x2], $0x80, s20, s14, $0xb8;
	[tilespmem:$0x8400] =	vst v63  }
0x28: {  	_ =	swait.ge [sflag:s10], $0x3200  }
0x29: {  	[sflag:s10] =	ssyncset.done $0x0  }
0x2a: {  	s17 =	sadd.s32 $0x1, s17  }
0x2b: {  	p0 =	sne.s32 s17, s9  }
.Ltmp1:
0x2c: {  	[sflag:s10] =	ssyncadd.s32 $0xFFFFCE00;
	(pc) =	sbr.rel @p0 .LBB2_1-.Ltmp1, $4  }
0x2d: {  	[hbm:s8], [sflag:s12] =	dma.local [spmem:s13], $0x200  }
0x2e: {  	_ =	swait.ge [sflag:s10], $0x200  }
0x2f: {  	[sflag:s10] =	ssyncset.done $0x0  }
0x30: {  	[sflag:s10] =	ssyncadd.s32 $0xFFFFFE00  }
0x31: {  	_ =	sfence.sel $0x180000  }
0x32: {  	[bflag:$0x0] =	sbarrier.arrive $0xFFFF  }
0x33: {  	p0 =	sne.s32 s1, $0x0;
	_ =	strace $0x90000047  }
0x34: {  	s0 =	sadd.s32 @!p0 $0x100000, s0;
	[bflag:$0x2] =	sbarrier.arrive $0xFFFF  }
0x35: {  	[sflag:s0] =	ssyncadd.tile.s32 @!p0 $0x1;
	_ =	shalt  }
.Lfunc_end2:
_tile_overlayer_lowered:
.L_overlay_start_2:
0x36: {  	(tag) =	ssettag $0x2  }
0x37: {  	s0 =	rddreg [dreg:$0x0];
	s2 =	stileid.u32  }
0x38: {  	s1 =	rddreg [dreg:$0x1];
	p0 =	sne.s32 s2, $0x0  }
0x39: {  	s3 =	rddreg [dreg:$0x2];
	[bflag:$0x3] =	sbarrier.arrive $0xFFFF;
	s2 =	simm.s32 @!p0 $0x1C02  }
0x3a: {  	[timem:s3], [sflag:s2] =	dma.local @!p0 [hbm:s0], s1  }
0x3b: {  	s0 =	simm.s32 @!p0 $0x2  }
0x3c: {  	_ =	swait.ge @!p0 [sflag:s0], s1  }
0x3d: {  	s1 =	ssub.s32 @!p0 $0x0, s1;
	[sflag:s0] =	ssyncset.done @!p0 $0x0  }
0x3e: {  	[sflag:s0] =	ssyncadd.s32 @!p0 s1  }
0x3f: {  	[bflag:$0x3] =	sbarrier.arrive $0xFFFF  }
0x40: {  	_ =	shalt  }

</sc_bundles>
